<compile_context>
chip_gen: v7x
topology: tpu7x:2x2x1
jax: 0.10.2.dev20260603
libtpu: 0.0.44.dev20260713+nightly
codegen_flags: <defaults>
</compile_context>

<pallas_src>
import jax
import jax.numpy as jnp
from jax import lax
from jax.experimental import pallas as pl
from jax.experimental.pallas import tpu as pltpu
from jax.experimental.pallas import tpu_sc as plsc

BATCH = 16384
EMB = 128
NF = 128
OUT_W = EMB + NF

NC = 2
NS = 16
NW = NC * NS
BPW = BATCH // NW
CH = 128
NCH = BPW // CH


def _body(feats_hbm, idx_hbm, w_hbm, out_hbm, idx_v, rows_v, f0, f1, sem, fsem):
    wid = lax.axis_index("s") * NC + lax.axis_index("c")
    base = wid * BPW
    fbufs = (f0, f1)

    fcp = [
        pltpu.async_copy(feats_hbm.at[pl.ds(base + j * CH, CH)], fbufs[j], fsem)
        for j in range(2)
    ]

    pltpu.sync_copy(idx_hbm.at[pl.ds(wid * NCH, NCH)], idx_v)

    copies = []
    for j in range(NCH):
        copies.append(
            pltpu.async_copy(
                w_hbm.at[idx_v.at[j]], rows_v.at[pl.ds(j * CH, CH)], sem
            )
        )

    for j in range(NCH):
        fcp[j % 2].wait()
        pltpu.sync_copy(
            fbufs[j % 2],
            out_hbm.at[pl.ds(base + j * CH, CH), pl.ds(EMB, NF)],
        )
        if j + 2 < NCH:
            fcp[j % 2] = pltpu.async_copy(
                feats_hbm.at[pl.ds(base + (j + 2) * CH, CH)], fbufs[j % 2], fsem
            )

    for cp in copies:
        cp.wait()

    pltpu.sync_copy(rows_v, out_hbm.at[pl.ds(base, BPW), pl.ds(0, EMB)])


@jax.jit
def _run(feats, idx2, W):
    mesh = plsc.VectorSubcoreMesh(core_axis_name="c", subcore_axis_name="s")
    return pl.kernel(
        _body,
        out_type=jax.ShapeDtypeStruct((BATCH, OUT_W), jnp.float32),
        mesh=mesh,
        scratch_types=[
            pltpu.VMEM((NCH, CH), jnp.int32),
            pltpu.VMEM((BPW, EMB), jnp.float32),
            pltpu.VMEM((CH, NF), jnp.float32),
            pltpu.VMEM((CH, NF), jnp.float32),
            pltpu.SemaphoreType.DMA,
            pltpu.SemaphoreType.DMA,
        ],
        compiler_params=pltpu.CompilerParams(use_tc_tiling_on_sc=False),
    )(feats, idx2, W)


def kernel(x, W):
    idx = x[:, 0].astype(jnp.int32).reshape(NW * NCH, CH)
    return _run(x[:, 1:], idx, W)

# --- scband reference (transcript-rebuilt; emitter-appended) ---
"""Pipeline reference for scband-emedding-input-layer-41360535060636 (READ-ONLY COPY).

The authoritative reference and input builder live on the scoring server;
editing this copy changes nothing except your own understanding.
"""

import jax, jax.numpy as jnp
import numpy as np

BATCH = 16384
NUM_EMB = 100000
EMB_SIZE = 128
N_FEATS = 128  # dense columns after the op-code column


def setup_inputs(seed: int = 0) -> dict:
    key = jax.random.key(seed)
    k1, k2, k3 = jax.random.split(key, 3)
    # first column: valid embedding indices stored as float (as the torch module expects)
    idx = jax.random.randint(k1, (BATCH,), 0, NUM_EMB)
    feats = jax.random.normal(k2, (BATCH, N_FEATS), dtype=jnp.float32)
    x = jnp.concatenate([idx.astype(jnp.float32)[:, None], feats], axis=1)
    # learned embedding table (nn.Embedding weight), N(0,1) init like torch default
    W = jax.random.normal(k3, (NUM_EMB, EMB_SIZE), dtype=jnp.float32)
    return {"x": x, "W": W}


def reference(x, W):
    # op_code = x[:, 0].long()
    op_code = jax.lax.stop_gradient(x[:, 0]).astype(jnp.int32)
    # embedding = self.emb(op_code)
    embedding = jnp.take(W, op_code, axis=0)
    # torch.concatenate([embedding, x[:, 1:]], dim=1)
    return jnp.concatenate([embedding, x[:, 1:]], axis=1)

if __name__ == "__main__":
    import jax
    _d = setup_inputs()
    print(jax.jit(kernel)(*tuple(_d.values())))

</pallas_src>

<mosaic_0001>
#map = affine_map<(d0, d1) -> (0, 0)>
module attributes {stable_mosaic.version = 14 : i64} {
  func.func @_body(%arg0: i32, %arg1: i32, %arg2: memref<16384x128xf32, #tpu.memory_space<hbm>>, %arg3: memref<128x128xi32, #tpu.memory_space<hbm>>, %arg4: memref<100000x128xf32, #tpu.memory_space<hbm>>, %arg5: memref<16384x256xf32, #tpu.memory_space<hbm>>, %arg6: memref<4x128xi32, #tpu.memory_space<vmem>>, %arg7: memref<512x128xf32, #tpu.memory_space<vmem>>, %arg8: memref<128x128xf32, #tpu.memory_space<vmem>>, %arg9: memref<128x128xf32, #tpu.memory_space<vmem>>, %arg10: memref<!tpu.dma_semaphore, #tpu.memory_space<semaphore_mem>>, %arg11: memref<!tpu.dma_semaphore, #tpu.memory_space<semaphore_mem>>) attributes {dimension_semantics = [#tpu.dimension_semantics<core_parallel>, #tpu.dimension_semantics<subcore_parallel>], iteration_bounds = array<i64: 2, 16>, scalar_prefetch = 0 : i64, scratch_operands = 6 : i64, tpu.core_type = #tpu.core_type<sc_vector_subcore>, window_params = [{transform_indices = #map}, {transform_indices = #map}, {transform_indices = #map}, {transform_indices = #map}]} {
    %mul3A = arith.constant 2 : i32
    %mul3A_0 = arith.muli %arg1, %mul3A : i32
    %add3A = arith.addi %mul3A_0, %arg0 : i32
    %mul3A_1 = arith.constant 512 : i32
    %mul3A_2 = arith.muli %add3A, %mul3A_1 : i32
    %add3A_3 = arith.constant 0 : i32
    %add3A_4 = arith.addi %mul3A_2, %add3A_3 : i32
    %dma_start3A = arith.constant 0 : i32
    %dma_start3A_5 = tpu.memref_slice %arg2[%add3A_4, %dma_start3A] : memref<16384x128xf32, #tpu.memory_space<hbm>> -> memref<128x128xf32, #tpu.memory_space<hbm>>
    %dma_start3A_6 = arith.constant 0 : i32
    %dma_start3A_7 = tpu.memref_slice %arg2[%add3A_4, %dma_start3A_6] : memref<16384x128xf32, #tpu.memory_space<hbm>> -> memref<128x128xf32, #tpu.memory_space<hbm>>
    tpu.enqueue_dma source(%dma_start3A_7 : memref<128x128xf32, #tpu.memory_space<hbm>>) target(%arg8 : memref<128x128xf32, #tpu.memory_space<vmem>>) target_semaphore(%arg11 : memref<!tpu.dma_semaphore, #tpu.memory_space<semaphore_mem>>)
    %add3A_8 = arith.constant 128 : i32
    %add3A_9 = arith.addi %mul3A_2, %add3A_8 : i32
    %dma_start3A_10 = arith.constant 0 : i32
    %dma_start3A_11 = tpu.memref_slice %arg2[%add3A_9, %dma_start3A_10] : memref<16384x128xf32, #tpu.memory_space<hbm>> -> memref<128x128xf32, #tpu.memory_space<hbm>>
    %dma_start3A_12 = arith.constant 0 : i32
    %dma_start3A_13 = tpu.memref_slice %arg2[%add3A_9, %dma_start3A_12] : memref<16384x128xf32, #tpu.memory_space<hbm>> -> memref<128x128xf32, #tpu.memory_space<hbm>>
    tpu.enqueue_dma source(%dma_start3A_13 : memref<128x128xf32, #tpu.memory_space<hbm>>) target(%arg9 : memref<128x128xf32, #tpu.memory_space<vmem>>) target_semaphore(%arg11 : memref<!tpu.dma_semaphore, #tpu.memory_space<semaphore_mem>>)
    %mul3A_14 = arith.constant 4 : i32
    %mul3A_15 = arith.muli %add3A, %mul3A_14 : i32
    "tpu.region"() ({
      %run_scoped3A = tpu.sem_alloc : memref<!tpu.dma_semaphore, #tpu.memory_space<semaphore_mem>>
      %dma_start3A_131 = arith.constant 0 : i32
      %dma_start3A_132 = tpu.memref_slice %arg3[%mul3A_15, %dma_start3A_131] : memref<128x128xi32, #tpu.memory_space<hbm>> -> memref<4x128xi32, #tpu.memory_space<hbm>>
      %dma_start3A_133 = arith.constant 0 : i32
      %dma_start3A_134 = tpu.memref_slice %arg3[%mul3A_15, %dma_start3A_133] : memref<128x128xi32, #tpu.memory_space<hbm>> -> memref<4x128xi32, #tpu.memory_space<hbm>>
      tpu.enqueue_dma source(%dma_start3A_134 : memref<4x128xi32, #tpu.memory_space<hbm>>) target(%arg6 : memref<4x128xi32, #tpu.memory_space<vmem>>) target_semaphore(%run_scoped3A : memref<!tpu.dma_semaphore, #tpu.memory_space<semaphore_mem>>)
      %dma_wait3A_135 = arith.constant 0 : i32
      %dma_wait3A_136 = tpu.memref_slice %arg3[%mul3A_15, %dma_wait3A_135] : memref<128x128xi32, #tpu.memory_space<hbm>> -> memref<4x128xi32, #tpu.memory_space<hbm>>
      %dma_wait3A_137 = arith.constant 0 : i32
      %dma_wait3A_138 = tpu.memref_slice %arg3[%mul3A_15, %dma_wait3A_137] : memref<128x128xi32, #tpu.memory_space<hbm>> -> memref<4x128xi32, #tpu.memory_space<hbm>>
      tpu.wait_dma2 semaphore(%run_scoped3A : memref<!tpu.dma_semaphore, #tpu.memory_space<semaphore_mem>>) src(%dma_wait3A_138 : memref<4x128xi32, #tpu.memory_space<hbm>>) dst(%arg6 : memref<4x128xi32, #tpu.memory_space<vmem>>)
      tpu.yield
    }) : () -> ()
    %dma_start3A_16 = arith.constant 0 : i32
    %dma_start3A_17 = arith.constant 0 : i32
    %dma_start3A_18 = arith.constant 0 : i32
    %dma_start3A_19 = tpu.memref_slice %arg7[%dma_start3A_17, %dma_start3A_18] : memref<512x128xf32, #tpu.memory_space<vmem>> -> memref<128x128xf32, #tpu.memory_space<vmem>>
    %dma_start3A_20 = arith.constant 0 : i32
    %dma_start3A_21 = tpu.memref_slice %arg6[%dma_start3A_16, %dma_start3A_20] : memref<4x128xi32, #tpu.memory_space<vmem>> -> memref<1x128xi32, #tpu.memory_space<vmem>>
    %dma_start3A_22 = tpu.memref_squeeze %dma_start3A_21 : memref<1x128xi32, #tpu.memory_space<vmem>> -> memref<128xi32, #tpu.memory_space<vmem>>
    %dma_start3A_23 = arith.constant 0 : i32
    %dma_start3A_24 = arith.constant 0 : i32
    %dma_start3A_25 = tpu.memref_slice %arg4[%dma_start3A_23, %dma_start3A_24] : memref<100000x128xf32, #tpu.memory_space<hbm>> -> memref<100000x128xf32, #tpu.memory_space<hbm>>
    tpu.enqueue_indirect_dma source(%dma_start3A_25 : memref<100000x128xf32, #tpu.memory_space<hbm>>) target(%dma_start3A_19 : memref<128x128xf32, #tpu.memory_space<vmem>>) offsets(%dma_start3A_22 : memref<128xi32, #tpu.memory_space<vmem>>) semaphore(%arg10 : memref<!tpu.dma_semaphore, #tpu.memory_space<semaphore_mem>>)
    %dma_start3A_26 = arith.constant 1 : i32
    %dma_start3A_27 = arith.constant 128 : i32
    %dma_start3A_28 = arith.constant 0 : i32
    %dma_start3A_29 = tpu.memref_slice %arg7[%dma_start3A_27, %dma_start3A_28] : memref<512x128xf32, #tpu.memory_space<vmem>> -> memref<128x128xf32, #tpu.memory_space<vmem>>
    %dma_start3A_30 = arith.constant 0 : i32
    %dma_start3A_31 = tpu.memref_slice %arg6[%dma_start3A_26, %dma_start3A_30] : memref<4x128xi32, #tpu.memory_space<vmem>> -> memref<1x128xi32, #tpu.memory_space<vmem>>
    %dma_start3A_32 = tpu.memref_squeeze %dma_start3A_31 : memref<1x128xi32, #tpu.memory_space<vmem>> -> memref<128xi32, #tpu.memory_space<vmem>>
    %dma_start3A_33 = arith.constant 0 : i32
    %dma_start3A_34 = arith.constant 0 : i32
    %dma_start3A_35 = tpu.memref_slice %arg4[%dma_start3A_33, %dma_start3A_34] : memref<100000x128xf32, #tpu.memory_space<hbm>> -> memref<100000x128xf32, #tpu.memory_space<hbm>>
    tpu.enqueue_indirect_dma source(%dma_start3A_35 : memref<100000x128xf32, #tpu.memory_space<hbm>>) target(%dma_start3A_29 : memref<128x128xf32, #tpu.memory_space<vmem>>) offsets(%dma_start3A_32 : memref<128xi32, #tpu.memory_space<vmem>>) semaphore(%arg10 : memref<!tpu.dma_semaphore, #tpu.memory_space<semaphore_mem>>)
    %dma_start3A_36 = arith.constant 2 : i32
    %dma_start3A_37 = arith.constant 256 : i32
    %dma_start3A_38 = arith.constant 0 : i32
    %dma_start3A_39 = tpu.memref_slice %arg7[%dma_start3A_37, %dma_start3A_38] : memref<512x128xf32, #tpu.memory_space<vmem>> -> memref<128x128xf32, #tpu.memory_space<vmem>>
    %dma_start3A_40 = arith.constant 0 : i32
    %dma_start3A_41 = tpu.memref_slice %arg6[%dma_start3A_36, %dma_start3A_40] : memref<4x128xi32, #tpu.memory_space<vmem>> -> memref<1x128xi32, #tpu.memory_space<vmem>>
    %dma_start3A_42 = tpu.memref_squeeze %dma_start3A_41 : memref<1x128xi32, #tpu.memory_space<vmem>> -> memref<128xi32, #tpu.memory_space<vmem>>
    %dma_start3A_43 = arith.constant 0 : i32
    %dma_start3A_44 = arith.constant 0 : i32
    %dma_start3A_45 = tpu.memref_slice %arg4[%dma_start3A_43, %dma_start3A_44] : memref<100000x128xf32, #tpu.memory_space<hbm>> -> memref<100000x128xf32, #tpu.memory_space<hbm>>
    tpu.enqueue_indirect_dma source(%dma_start3A_45 : memref<100000x128xf32, #tpu.memory_space<hbm>>) target(%dma_start3A_39 : memref<128x128xf32, #tpu.memory_space<vmem>>) offsets(%dma_start3A_42 : memref<128xi32, #tpu.memory_space<vmem>>) semaphore(%arg10 : memref<!tpu.dma_semaphore, #tpu.memory_space<semaphore_mem>>)
    %dma_start3A_46 = arith.constant 3 : i32
    %dma_start3A_47 = arith.constant 384 : i32
    %dma_start3A_48 = arith.constant 0 : i32
    %dma_start3A_49 = tpu.memref_slice %arg7[%dma_start3A_47, %dma_start3A_48] : memref<512x128xf32, #tpu.memory_space<vmem>> -> memref<128x128xf32, #tpu.memory_space<vmem>>
    %dma_start3A_50 = arith.constant 0 : i32
    %dma_start3A_51 = tpu.memref_slice %arg6[%dma_start3A_46, %dma_start3A_50] : memref<4x128xi32, #tpu.memory_space<vmem>> -> memref<1x128xi32, #tpu.memory_space<vmem>>
    %dma_start3A_52 = tpu.memref_squeeze %dma_start3A_51 : memref<1x128xi32, #tpu.memory_space<vmem>> -> memref<128xi32, #tpu.memory_space<vmem>>
    %dma_start3A_53 = arith.constant 0 : i32
    %dma_start3A_54 = arith.constant 0 : i32
    %dma_start3A_55 = tpu.memref_slice %arg4[%dma_start3A_53, %dma_start3A_54] : memref<100000x128xf32, #tpu.memory_space<hbm>> -> memref<100000x128xf32, #tpu.memory_space<hbm>>
    tpu.enqueue_indirect_dma source(%dma_start3A_55 : memref<100000x128xf32, #tpu.memory_space<hbm>>) target(%dma_start3A_49 : memref<128x128xf32, #tpu.memory_space<vmem>>) offsets(%dma_start3A_52 : memref<128xi32, #tpu.memory_space<vmem>>) semaphore(%arg10 : memref<!tpu.dma_semaphore, #tpu.memory_space<semaphore_mem>>)
    %dma_wait3A = arith.constant 0 : i32
    %dma_wait3A_56 = tpu.memref_slice %arg2[%add3A_4, %dma_wait3A] : memref<16384x128xf32, #tpu.memory_space<hbm>> -> memref<128x128xf32, #tpu.memory_space<hbm>>
    %dma_wait3A_57 = arith.constant 0 : i32
    %dma_wait3A_58 = tpu.memref_slice %arg2[%add3A_4, %dma_wait3A_57] : memref<16384x128xf32, #tpu.memory_space<hbm>> -> memref<128x128xf32, #tpu.memory_space<hbm>>
    tpu.wait_dma2 semaphore(%arg11 : memref<!tpu.dma_semaphore, #tpu.memory_space<semaphore_mem>>) src(%dma_wait3A_58 : memref<128x128xf32, #tpu.memory_space<hbm>>) dst(%arg8 : memref<128x128xf32, #tpu.memory_space<vmem>>)
    %add3A_59 = arith.constant 0 : i32
    %add3A_60 = arith.addi %mul3A_2, %add3A_59 : i32
    "tpu.region"() ({
      %run_scoped3A = tpu.sem_alloc : memref<!tpu.dma_semaphore, #tpu.memory_space<semaphore_mem>>
      %dma_start3A_131 = arith.constant 128 : i32
      %dma_start3A_132 = tpu.memref_slice %arg5[%add3A_60, %dma_start3A_131] : memref<16384x256xf32, #tpu.memory_space<hbm>> -> memref<128x128xf32, #tpu.memory_space<hbm>>
      %dma_start3A_133 = arith.constant 128 : i32
      %dma_start3A_134 = tpu.memref_slice %arg5[%add3A_60, %dma_start3A_133] : memref<16384x256xf32, #tpu.memory_space<hbm>> -> memref<128x128xf32, #tpu.memory_space<hbm>>
      tpu.enqueue_dma source(%arg8 : memref<128x128xf32, #tpu.memory_space<vmem>>) target(%dma_start3A_134 : memref<128x128xf32, #tpu.memory_space<hbm>>) target_semaphore(%run_scoped3A : memref<!tpu.dma_semaphore, #tpu.memory_space<semaphore_mem>>)
      %dma_wait3A_135 = arith.constant 128 : i32
      %dma_wait3A_136 = tpu.memref_slice %arg5[%add3A_60, %dma_wait3A_135] : memref<16384x256xf32, #tpu.memory_space<hbm>> -> memref<128x128xf32, #tpu.memory_space<hbm>>
      %dma_wait3A_137 = arith.constant 128 : i32
      %dma_wait3A_138 = tpu.memref_slice %arg5[%add3A_60, %dma_wait3A_137] : memref<16384x256xf32, #tpu.memory_space<hbm>> -> memref<128x128xf32, #tpu.memory_space<hbm>>
      tpu.wait_dma2 semaphore(%run_scoped3A : memref<!tpu.dma_semaphore, #tpu.memory_space<semaphore_mem>>) src(%arg8 : memref<128x128xf32, #tpu.memory_space<vmem>>) dst(%dma_wait3A_138 : memref<128x128xf32, #tpu.memory_space<hbm>>)
      tpu.yield
    }) : () -> ()
    %add3A_61 = arith.constant 256 : i32
    %add3A_62 = arith.addi %mul3A_2, %add3A_61 : i32
    %dma_start3A_63 = arith.constant 0 : i32
    %dma_start3A_64 = tpu.memref_slice %arg2[%add3A_62, %dma_start3A_63] : memref<16384x128xf32, #tpu.memory_space<hbm>> -> memref<128x128xf32, #tpu.memory_space<hbm>>
    %dma_start3A_65 = arith.constant 0 : i32
    %dma_start3A_66 = tpu.memref_slice %arg2[%add3A_62, %dma_start3A_65] : memref<16384x128xf32, #tpu.memory_space<hbm>> -> memref<128x128xf32, #tpu.memory_space<hbm>>
    tpu.enqueue_dma source(%dma_start3A_66 : memref<128x128xf32, #tpu.memory_space<hbm>>) target(%arg8 : memref<128x128xf32, #tpu.memory_space<vmem>>) target_semaphore(%arg11 : memref<!tpu.dma_semaphore, #tpu.memory_space<semaphore_mem>>)
    %dma_wait3A_67 = arith.constant 0 : i32
    %dma_wait3A_68 = tpu.memref_slice %arg2[%add3A_9, %dma_wait3A_67] : memref<16384x128xf32, #tpu.memory_space<hbm>> -> memref<128x128xf32, #tpu.memory_space<hbm>>
    %dma_wait3A_69 = arith.constant 0 : i32
    %dma_wait3A_70 = tpu.memref_slice %arg2[%add3A_9, %dma_wait3A_69] : memref<16384x128xf32, #tpu.memory_space<hbm>> -> memref<128x128xf32, #tpu.memory_space<hbm>>
    tpu.wait_dma2 semaphore(%arg11 : memref<!tpu.dma_semaphore, #tpu.memory_space<semaphore_mem>>) src(%dma_wait3A_70 : memref<128x128xf32, #tpu.memory_space<hbm>>) dst(%arg9 : memref<128x128xf32, #tpu.memory_space<vmem>>)
    %add3A_71 = arith.constant 128 : i32
    %add3A_72 = arith.addi %mul3A_2, %add3A_71 : i32
    "tpu.region"() ({
      %run_scoped3A = tpu.sem_alloc : memref<!tpu.dma_semaphore, #tpu.memory_space<semaphore_mem>>
      %dma_start3A_131 = arith.constant 128 : i32
      %dma_start3A_132 = tpu.memref_slice %arg5[%add3A_72, %dma_start3A_131] : memref<16384x256xf32, #tpu.memory_space<hbm>> -> memref<128x128xf32, #tpu.memory_space<hbm>>
      %dma_start3A_133 = arith.constant 128 : i32
      %dma_start3A_134 = tpu.memref_slice %arg5[%add3A_72, %dma_start3A_133] : memref<16384x256xf32, #tpu.memory_space<hbm>> -> memref<128x128xf32, #tpu.memory_space<hbm>>
      tpu.enqueue_dma source(%arg9 : memref<128x128xf32, #tpu.memory_space<vmem>>) target(%dma_start3A_134 : memref<128x128xf32, #tpu.memory_space<hbm>>) target_semaphore(%run_scoped3A : memref<!tpu.dma_semaphore, #tpu.memory_space<semaphore_mem>>)
      %dma_wait3A_135 = arith.constant 128 : i32
      %dma_wait3A_136 = tpu.memref_slice %arg5[%add3A_72, %dma_wait3A_135] : memref<16384x256xf32, #tpu.memory_space<hbm>> -> memref<128x128xf32, #tpu.memory_space<hbm>>
      %dma_wait3A_137 = arith.constant 128 : i32
      %dma_wait3A_138 = tpu.memref_slice %arg5[%add3A_72, %dma_wait3A_137] : memref<16384x256xf32, #tpu.memory_space<hbm>> -> memref<128x128xf32, #tpu.memory_space<hbm>>
      tpu.wait_dma2 semaphore(%run_scoped3A : memref<!tpu.dma_semaphore, #tpu.memory_space<semaphore_mem>>) src(%arg9 : memref<128x128xf32, #tpu.memory_space<vmem>>) dst(%dma_wait3A_138 : memref<128x128xf32, #tpu.memory_space<hbm>>)
      tpu.yield
    }) : () -> ()
    %add3A_73 = arith.constant 384 : i32
    %add3A_74 = arith.addi %mul3A_2, %add3A_73 : i32
    %dma_start3A_75 = arith.constant 0 : i32
    %dma_start3A_76 = tpu.memref_slice %arg2[%add3A_74, %dma_start3A_75] : memref<16384x128xf32, #tpu.memory_space<hbm>> -> memref<128x128xf32, #tpu.memory_space<hbm>>
    %dma_start3A_77 = arith.constant 0 : i32
    %dma_start3A_78 = tpu.memref_slice %arg2[%add3A_74, %dma_start3A_77] : memref<16384x128xf32, #tpu.memory_space<hbm>> -> memref<128x128xf32, #tpu.memory_space<hbm>>
    tpu.enqueue_dma source(%dma_start3A_78 : memref<128x128xf32, #tpu.memory_space<hbm>>) target(%arg9 : memref<128x128xf32, #tpu.memory_space<vmem>>) target_semaphore(%arg11 : memref<!tpu.dma_semaphore, #tpu.memory_space<semaphore_mem>>)
    %dma_wait3A_79 = arith.constant 0 : i32
    %dma_wait3A_80 = tpu.memref_slice %arg2[%add3A_62, %dma_wait3A_79] : memref<16384x128xf32, #tpu.memory_space<hbm>> -> memref<128x128xf32, #tpu.memory_space<hbm>>
    %dma_wait3A_81 = arith.constant 0 : i32
    %dma_wait3A_82 = tpu.memref_slice %arg2[%add3A_62, %dma_wait3A_81] : memref<16384x128xf32, #tpu.memory_space<hbm>> -> memref<128x128xf32, #tpu.memory_space<hbm>>
    tpu.wait_dma2 semaphore(%arg11 : memref<!tpu.dma_semaphore, #tpu.memory_space<semaphore_mem>>) src(%dma_wait3A_82 : memref<128x128xf32, #tpu.memory_space<hbm>>) dst(%arg8 : memref<128x128xf32, #tpu.memory_space<vmem>>)
    %add3A_83 = arith.constant 256 : i32
    %add3A_84 = arith.addi %mul3A_2, %add3A_83 : i32
    "tpu.region"() ({
      %run_scoped3A = tpu.sem_alloc : memref<!tpu.dma_semaphore, #tpu.memory_space<semaphore_mem>>
      %dma_start3A_131 = arith.constant 128 : i32
      %dma_start3A_132 = tpu.memref_slice %arg5[%add3A_84, %dma_start3A_131] : memref<16384x256xf32, #tpu.memory_space<hbm>> -> memref<128x128xf32, #tpu.memory_space<hbm>>
      %dma_start3A_133 = arith.constant 128 : i32
      %dma_start3A_134 = tpu.memref_slice %arg5[%add3A_84, %dma_start3A_133] : memref<16384x256xf32, #tpu.memory_space<hbm>> -> memref<128x128xf32, #tpu.memory_space<hbm>>
      tpu.enqueue_dma source(%arg8 : memref<128x128xf32, #tpu.memory_space<vmem>>) target(%dma_start3A_134 : memref<128x128xf32, #tpu.memory_space<hbm>>) target_semaphore(%run_scoped3A : memref<!tpu.dma_semaphore, #tpu.memory_space<semaphore_mem>>)
      %dma_wait3A_135 = arith.constant 128 : i32
      %dma_wait3A_136 = tpu.memref_slice %arg5[%add3A_84, %dma_wait3A_135] : memref<16384x256xf32, #tpu.memory_space<hbm>> -> memref<128x128xf32, #tpu.memory_space<hbm>>
      %dma_wait3A_137 = arith.constant 128 : i32
      %dma_wait3A_138 = tpu.memref_slice %arg5[%add3A_84, %dma_wait3A_137] : memref<16384x256xf32, #tpu.memory_space<hbm>> -> memref<128x128xf32, #tpu.memory_space<hbm>>
      tpu.wait_dma2 semaphore(%run_scoped3A : memref<!tpu.dma_semaphore, #tpu.memory_space<semaphore_mem>>) src(%arg8 : memref<128x128xf32, #tpu.memory_space<vmem>>) dst(%dma_wait3A_138 : memref<128x128xf32, #tpu.memory_space<hbm>>)
      tpu.yield
    }) : () -> ()
    %dma_wait3A_85 = arith.constant 0 : i32
    %dma_wait3A_86 = tpu.memref_slice %arg2[%add3A_74, %dma_wait3A_85] : memref<16384x128xf32, #tpu.memory_space<hbm>> -> memref<128x128xf32, #tpu.memory_space<hbm>>
    %dma_wait3A_87 = arith.constant 0 : i32
    %dma_wait3A_88 = tpu.memref_slice %arg2[%add3A_74, %dma_wait3A_87] : memref<16384x128xf32, #tpu.memory_space<hbm>> -> memref<128x128xf32, #tpu.memory_space<hbm>>
    tpu.wait_dma2 semaphore(%arg11 : memref<!tpu.dma_semaphore, #tpu.memory_space<semaphore_mem>>) src(%dma_wait3A_88 : memref<128x128xf32, #tpu.memory_space<hbm>>) dst(%arg9 : memref<128x128xf32, #tpu.memory_space<vmem>>)
    %add3A_89 = arith.constant 384 : i32
    %add3A_90 = arith.addi %mul3A_2, %add3A_89 : i32
    "tpu.region"() ({
      %run_scoped3A = tpu.sem_alloc : memref<!tpu.dma_semaphore, #tpu.memory_space<semaphore_mem>>
      %dma_start3A_131 = arith.constant 128 : i32
      %dma_start3A_132 = tpu.memref_slice %arg5[%add3A_90, %dma_start3A_131] : memref<16384x256xf32, #tpu.memory_space<hbm>> -> memref<128x128xf32, #tpu.memory_space<hbm>>
      %dma_start3A_133 = arith.constant 128 : i32
      %dma_start3A_134 = tpu.memref_slice %arg5[%add3A_90, %dma_start3A_133] : memref<16384x256xf32, #tpu.memory_space<hbm>> -> memref<128x128xf32, #tpu.memory_space<hbm>>
      tpu.enqueue_dma source(%arg9 : memref<128x128xf32, #tpu.memory_space<vmem>>) target(%dma_start3A_134 : memref<128x128xf32, #tpu.memory_space<hbm>>) target_semaphore(%run_scoped3A : memref<!tpu.dma_semaphore, #tpu.memory_space<semaphore_mem>>)
      %dma_wait3A_135 = arith.constant 128 : i32
      %dma_wait3A_136 = tpu.memref_slice %arg5[%add3A_90, %dma_wait3A_135] : memref<16384x256xf32, #tpu.memory_space<hbm>> -> memref<128x128xf32, #tpu.memory_space<hbm>>
      %dma_wait3A_137 = arith.constant 128 : i32
      %dma_wait3A_138 = tpu.memref_slice %arg5[%add3A_90, %dma_wait3A_137] : memref<16384x256xf32, #tpu.memory_space<hbm>> -> memref<128x128xf32, #tpu.memory_space<hbm>>
      tpu.wait_dma2 semaphore(%run_scoped3A : memref<!tpu.dma_semaphore, #tpu.memory_space<semaphore_mem>>) src(%arg9 : memref<128x128xf32, #tpu.memory_space<vmem>>) dst(%dma_wait3A_138 : memref<128x128xf32, #tpu.memory_space<hbm>>)
      tpu.yield
    }) : () -> ()
    %dma_wait3A_91 = arith.constant 0 : i32
    %dma_wait3A_92 = arith.constant 0 : i32
    %dma_wait3A_93 = arith.constant 0 : i32
    %dma_wait3A_94 = tpu.memref_slice %arg7[%dma_wait3A_92, %dma_wait3A_93] : memref<512x128xf32, #tpu.memory_space<vmem>> -> memref<128x128xf32, #tpu.memory_space<vmem>>
    %dma_wait3A_95 = arith.constant 0 : i32
    %dma_wait3A_96 = tpu.memref_slice %arg6[%dma_wait3A_91, %dma_wait3A_95] : memref<4x128xi32, #tpu.memory_space<vmem>> -> memref<1x128xi32, #tpu.memory_space<vmem>>
    %dma_wait3A_97 = tpu.memref_squeeze %dma_wait3A_96 : memref<1x128xi32, #tpu.memory_space<vmem>> -> memref<128xi32, #tpu.memory_space<vmem>>
    %dma_wait3A_98 = arith.constant 0 : i32
    %dma_wait3A_99 = arith.constant 0 : i32
    %dma_wait3A_100 = tpu.memref_slice %arg4[%dma_wait3A_98, %dma_wait3A_99] : memref<100000x128xf32, #tpu.memory_space<hbm>> -> memref<100000x128xf32, #tpu.memory_space<hbm>>
    tpu.wait_indirect_dma semaphore(%arg10 : memref<!tpu.dma_semaphore, #tpu.memory_space<semaphore_mem>>) src(%dma_wait3A_100 : memref<100000x128xf32, #tpu.memory_space<hbm>>) dst(%dma_wait3A_94 : memref<128x128xf32, #tpu.memory_space<vmem>>)
    %dma_wait3A_101 = arith.constant 1 : i32
    %dma_wait3A_102 = arith.constant 128 : i32
    %dma_wait3A_103 = arith.constant 0 : i32
    %dma_wait3A_104 = tpu.memref_slice %arg7[%dma_wait3A_102, %dma_wait3A_103] : memref<512x128xf32, #tpu.memory_space<vmem>> -> memref<128x128xf32, #tpu.memory_space<vmem>>
    %dma_wait3A_105 = arith.constant 0 : i32
    %dma_wait3A_106 = tpu.memref_slice %arg6[%dma_wait3A_101, %dma_wait3A_105] : memref<4x128xi32, #tpu.memory_space<vmem>> -> memref<1x128xi32, #tpu.memory_space<vmem>>
    %dma_wait3A_107 = tpu.memref_squeeze %dma_wait3A_106 : memref<1x128xi32, #tpu.memory_space<vmem>> -> memref<128xi32, #tpu.memory_space<vmem>>
    %dma_wait3A_108 = arith.constant 0 : i32
    %dma_wait3A_109 = arith.constant 0 : i32
    %dma_wait3A_110 = tpu.memref_slice %arg4[%dma_wait3A_108, %dma_wait3A_109] : memref<100000x128xf32, #tpu.memory_space<hbm>> -> memref<100000x128xf32, #tpu.memory_space<hbm>>
    tpu.wait_indirect_dma semaphore(%arg10 : memref<!tpu.dma_semaphore, #tpu.memory_space<semaphore_mem>>) src(%dma_wait3A_110 : memref<100000x128xf32, #tpu.memory_space<hbm>>) dst(%dma_wait3A_104 : memref<128x128xf32, #tpu.memory_space<vmem>>)
    %dma_wait3A_111 = arith.constant 2 : i32
    %dma_wait3A_112 = arith.constant 256 : i32
    %dma_wait3A_113 = arith.constant 0 : i32
    %dma_wait3A_114 = tpu.memref_slice %arg7[%dma_wait3A_112, %dma_wait3A_113] : memref<512x128xf32, #tpu.memory_space<vmem>> -> memref<128x128xf32, #tpu.memory_space<vmem>>
    %dma_wait3A_115 = arith.constant 0 : i32
    %dma_wait3A_116 = tpu.memref_slice %arg6[%dma_wait3A_111, %dma_wait3A_115] : memref<4x128xi32, #tpu.memory_space<vmem>> -> memref<1x128xi32, #tpu.memory_space<vmem>>
    %dma_wait3A_117 = tpu.memref_squeeze %dma_wait3A_116 : memref<1x128xi32, #tpu.memory_space<vmem>> -> memref<128xi32, #tpu.memory_space<vmem>>
    %dma_wait3A_118 = arith.constant 0 : i32
    %dma_wait3A_119 = arith.constant 0 : i32
    %dma_wait3A_120 = tpu.memref_slice %arg4[%dma_wait3A_118, %dma_wait3A_119] : memref<100000x128xf32, #tpu.memory_space<hbm>> -> memref<100000x128xf32, #tpu.memory_space<hbm>>
    tpu.wait_indirect_dma semaphore(%arg10 : memref<!tpu.dma_semaphore, #tpu.memory_space<semaphore_mem>>) src(%dma_wait3A_120 : memref<100000x128xf32, #tpu.memory_space<hbm>>) dst(%dma_wait3A_114 : memref<128x128xf32, #tpu.memory_space<vmem>>)
    %dma_wait3A_121 = arith.constant 3 : i32
    %dma_wait3A_122 = arith.constant 384 : i32
    %dma_wait3A_123 = arith.constant 0 : i32
    %dma_wait3A_124 = tpu.memref_slice %arg7[%dma_wait3A_122, %dma_wait3A_123] : memref<512x128xf32, #tpu.memory_space<vmem>> -> memref<128x128xf32, #tpu.memory_space<vmem>>
    %dma_wait3A_125 = arith.constant 0 : i32
    %dma_wait3A_126 = tpu.memref_slice %arg6[%dma_wait3A_121, %dma_wait3A_125] : memref<4x128xi32, #tpu.memory_space<vmem>> -> memref<1x128xi32, #tpu.memory_space<vmem>>
    %dma_wait3A_127 = tpu.memref_squeeze %dma_wait3A_126 : memref<1x128xi32, #tpu.memory_space<vmem>> -> memref<128xi32, #tpu.memory_space<vmem>>
    %dma_wait3A_128 = arith.constant 0 : i32
    %dma_wait3A_129 = arith.constant 0 : i32
    %dma_wait3A_130 = tpu.memref_slice %arg4[%dma_wait3A_128, %dma_wait3A_129] : memref<100000x128xf32, #tpu.memory_space<hbm>> -> memref<100000x128xf32, #tpu.memory_space<hbm>>
    tpu.wait_indirect_dma semaphore(%arg10 : memref<!tpu.dma_semaphore, #tpu.memory_space<semaphore_mem>>) src(%dma_wait3A_130 : memref<100000x128xf32, #tpu.memory_space<hbm>>) dst(%dma_wait3A_124 : memref<128x128xf32, #tpu.memory_space<vmem>>)
    "tpu.region"() ({
      %run_scoped3A = tpu.sem_alloc : memref<!tpu.dma_semaphore, #tpu.memory_space<semaphore_mem>>
      %dma_start3A_131 = arith.constant 0 : i32
      %dma_start3A_132 = tpu.memref_slice %arg5[%mul3A_2, %dma_start3A_131] : memref<16384x256xf32, #tpu.memory_space<hbm>> -> memref<512x128xf32, #tpu.memory_space<hbm>>
      %dma_start3A_133 = arith.constant 0 : i32
      %dma_start3A_134 = tpu.memref_slice %arg5[%mul3A_2, %dma_start3A_133] : memref<16384x256xf32, #tpu.memory_space<hbm>> -> memref<512x128xf32, #tpu.memory_space<hbm>>
      tpu.enqueue_dma source(%arg7 : memref<512x128xf32, #tpu.memory_space<vmem>>) target(%dma_start3A_134 : memref<512x128xf32, #tpu.memory_space<hbm>>) target_semaphore(%run_scoped3A : memref<!tpu.dma_semaphore, #tpu.memory_space<semaphore_mem>>)
      %dma_wait3A_135 = arith.constant 0 : i32
      %dma_wait3A_136 = tpu.memref_slice %arg5[%mul3A_2, %dma_wait3A_135] : memref<16384x256xf32, #tpu.memory_space<hbm>> -> memref<512x128xf32, #tpu.memory_space<hbm>>
      %dma_wait3A_137 = arith.constant 0 : i32
      %dma_wait3A_138 = tpu.memref_slice %arg5[%mul3A_2, %dma_wait3A_137] : memref<16384x256xf32, #tpu.memory_space<hbm>> -> memref<512x128xf32, #tpu.memory_space<hbm>>
      tpu.wait_dma2 semaphore(%run_scoped3A : memref<!tpu.dma_semaphore, #tpu.memory_space<semaphore_mem>>) src(%arg7 : memref<512x128xf32, #tpu.memory_space<vmem>>) dst(%dma_wait3A_138 : memref<512x128xf32, #tpu.memory_space<hbm>>)
      tpu.yield
    }) : () -> ()
    return
  }
}

</mosaic_0001>

<sc_bundles>
// kernel: _run.3.cloned.1.call-start
scs
__scs_entry_jumppad:
0x0: {  	(pc) =	sbr.rel $0x88, $3  }
0x1: {  	(tag) =	ssettag $0x0;
	lr =	simm.s32 $0x1  }
0x2: {  	[smem:$0x3F9E] =	sst lr;
	_ =	strace $0xD0000000  }
0x3: {  	_ = 	snop  }
0x4: {  	_ = 	snop  }
0x5: {  	_ = 	snop  }
0x6: {  	_ = 	snop  }
0x7: {  	_ = 	snop  }
__scs_overlays_trampoline_lowered:
0x8: {  	[smem:$0x3FAD] =	sst s0  }
0x9: {  	[smem:$0x3FAE] =	sst s1  }
0xa: {  	[smem:$0x3FAF] =	sst s2  }
0xb: {  	[smem:$0x3FB0] =	sst s3  }
0xc: {  	[smem:$0x3FB1] =	sst s4  }
0xd: {  	[smem:$0x3FB2] =	sst s5  }
0xe: {  	[smem:$0x3FB3] =	sst s6  }
0xf: {  	[smem:$0x3FB4] =	sst s7  }
0x10: {  	[smem:$0x3FB5] =	sst s8  }
0x11: {  	[smem:$0x3FB6] =	sst s9;
	s0 =	simm.s32 @!p0 $0x0  }
0x12: {  	s1 =	sld [smem:$0x3F9C];
	s0 =	simm.s32 @p0 $0x1  }
0x13: {  	[smem:$0x3FB7] =	sst s0;
	s0 =	simm.s32 @!p1 $0x0  }
0x14: {  	s2 =	sld [smem:$0x3F9B];
	s0 =	simm.s32 @p1 $0x1  }
0x15: {  	[smem:$0x3FB8] =	sst s0;
	s0 =	simm.s32 @!p2 $0x0  }
0x16: {  	s3 =	sld [smem:$0x3FDB];
	s0 =	simm.s32 @p2 $0x1  }
0x17: {  	s4 =	simm.s32 $0x1BF5;
	[smem:$0x3FBA] =	sst s0  }
0x18: {  	s0 =	sld [smem:$0x3F9D];
	_ =	swait.ge [sflag:s4], $0x0  }
0x19: {  	s7 =	sld [smem:$0x3F9E]  }
0x1a: {  	s8 =	sadd.s32 $0xFFFFE003, lr  }
0x1b: {  	s9 =	sadd.s32 $0xFFFFFEF7, lr;
	s5 =	simm.s32 $0xFFFFFFFF;
	p2 =	slt.u32 s8, $0xFFFFF086  }
0x1c: {  	p1 =	slt.u32 s9, $0xF7A;
	s5 =	simm.s32 @!p2 $0x0  }
0x1d: {  	s5 =	simm.s32 @p1 $0x1;
	p0 =	seq.s32 s7, s2  }
0x1e: {  	s7 =	smul.u32 @!p0 $0xF7A, s2;
	p2 =	seq.s32 @!p0 s5, $0x0  }
0x1f: {  	s9 =	smul.u32 $0xF7A, s1;
	s8 =	simm.s32 @!p0 $0x1BF5;
	p2 =	por !p2, p0  }
0x20: {  	[sflag:s8] =	ssyncset.s32 @!p0 $0xFFFFF086;
	s6 =	sadd.s32 @!p0 s3, s7;
	s7 =	simm.s32 @!p0 $0x108  }
0x21: {  	s3 =	sadd.s32 s3, s9;
	s6 =	sadd.s32 @!p0 $0x88, s6;
	s7 =	simm.s32 @p2 $0x1082  }
0x22: {  	[simem:s7], [sflag:s8] =	dma.local @!p0 [hbm:s6], $0xF7A  }
0x23: {  	s9 =	sor.u32 $0xD0000000, s2;
	s6 =	simm.s32 $0x108;
	_ =	swait.ge @!p0 [sflag:s8], $0x0  }
0x24: {  	s3 =	sadd.s32 $0x88, s3;
	s6 =	simm.s32 @!p1 $0x1082;
	[sflag:s4] =	ssyncset.s32 $0xFFFFF086  }
0x25: {  	[simem:s6], [sflag:s4] =	dma.local [hbm:s3], $0xF7A  }
0x26: {  	[smem:$0x3F9E] =	sst s1;
	(tag) =	ssettag s2;
	_ =	strace s9  }
0x27: {  	s1 =	sld [smem:$0x3FAE]  }
0x28: {  	s2 =	sld [smem:$0x3FAF]  }
0x29: {  	s4 =	sld [smem:$0x3FB1]  }
0x2a: {  	p0 =	seq.s32 s5, $0x0;
	s5 =	sld [smem:$0x3FB2]  }
0x2b: {  	s6 =	sld [smem:$0x3FB3]  }
0x2c: {  	s7 =	sld [smem:$0x3FB4]  }
0x2d: {  	s3 =	simm.s32 $0x108;
	s8 =	sld [smem:$0x3FB5]  }
0x2e: {  	s3 =	simm.s32 @!p0 $0x1082;
	s9 =	sld [smem:$0x3FB6]  }
0x2f: {  	lr =	sadd.s32 s0, s3;
	s0 =	sld [smem:$0x3FAD]  }
0x30: {  	s3 =	sld [smem:$0x3FB0]  }
0x31: {  	[smem:$0x3FB9] =	sst s10  }
0x32: {  	s10 =	sld [smem:$0x3FB7];
	_ =	sdelay $0x3  }
0x33: {  	p0 =	seq.s32 s10, $0x1;
	s10 =	sld [smem:$0x3FB9];
	_ =	sdelay $0x3  }
0x34: {  	[smem:$0x3FB9] =	sst s10  }
0x35: {  	s10 =	sld [smem:$0x3FB8];
	_ =	sdelay $0x3  }
0x36: {  	p1 =	seq.s32 s10, $0x1;
	s10 =	sld [smem:$0x3FB9];
	_ =	sdelay $0x3  }
0x37: {  	[smem:$0x3FB9] =	sst s10  }
0x38: {  	s10 =	sld [smem:$0x3FBA]  }
0x39: {  	_ = 	snop;
	(pc) =	sbr.ind lr, $3  }
0x3a: {  	_ = 	snop  }
0x3b: {  	_ = 	snop  }
0x3c: {  	p2 =	seq.s32 s10, $0x1;
	s10 =	sld [smem:$0x3FB9]  }
0x3d: {  	_ =	shalt  }
0x3e: {  	_ =	shalt  }
0x3f: {  	_ =	shalt  }
0x40: {  	_ =	shalt  }
0x41: {  	_ =	shalt  }
0x42: {  	_ =	shalt  }
0x43: {  	_ =	shalt  }
0x44: {  	_ =	shalt  }
0x45: {  	_ =	shalt  }
0x46: {  	_ =	shalt  }
0x47: {  	_ =	shalt  }
0x48: {  	_ =	shalt  }
0x49: {  	_ =	shalt  }
0x4a: {  	_ =	shalt  }
0x4b: {  	_ =	shalt  }
0x4c: {  	_ =	shalt  }
0x4d: {  	_ =	shalt  }
0x4e: {  	_ =	shalt  }
0x4f: {  	_ =	shalt  }
0x50: {  	_ =	shalt  }
0x51: {  	_ =	shalt  }
0x52: {  	_ =	shalt  }
0x53: {  	_ =	shalt  }
0x54: {  	_ =	shalt  }
0x55: {  	_ =	shalt  }
0x56: {  	_ =	shalt  }
0x57: {  	_ =	shalt  }
0x58: {  	_ =	shalt  }
0x59: {  	_ =	shalt  }
0x5a: {  	_ =	shalt  }
0x5b: {  	_ =	shalt  }
0x5c: {  	_ =	shalt  }
0x5d: {  	_ =	shalt  }
0x5e: {  	_ =	shalt  }
0x5f: {  	_ =	shalt  }
0x60: {  	_ =	shalt  }
0x61: {  	_ =	shalt  }
0x62: {  	_ =	shalt  }
0x63: {  	_ =	shalt  }
0x64: {  	_ =	shalt  }
0x65: {  	_ =	shalt  }
0x66: {  	_ =	shalt  }
0x67: {  	_ =	shalt  }
0x68: {  	_ =	shalt  }
0x69: {  	_ =	shalt  }
0x6a: {  	_ =	shalt  }
0x6b: {  	_ =	shalt  }
0x6c: {  	_ =	shalt  }
0x6d: {  	_ =	shalt  }
0x6e: {  	_ =	shalt  }
0x6f: {  	_ =	shalt  }
0x70: {  	_ =	shalt  }
0x71: {  	_ =	shalt  }
0x72: {  	_ =	shalt  }
0x73: {  	_ =	shalt  }
0x74: {  	_ =	shalt  }
0x75: {  	_ =	shalt  }
0x76: {  	_ =	shalt  }
0x77: {  	_ =	shalt  }
0x78: {  	_ =	shalt  }
0x79: {  	_ =	shalt  }
0x7a: {  	_ =	shalt  }
0x7b: {  	_ =	shalt  }
0x7c: {  	_ =	shalt  }
0x7d: {  	_ =	shalt  }
0x7e: {  	_ =	shalt  }
0x7f: {  	_ =	shalt  }
0x80: {  	_ =	shalt  }
0x81: {  	_ =	shalt  }
0x82: {  	_ =	shalt  }
0x83: {  	_ =	shalt  }
0x84: {  	_ =	shalt  }
0x85: {  	_ =	shalt  }
0x86: {  	_ =	shalt  }
0x87: {  	_ =	shalt  }
.Lfunc_end0:
.L_simem_size_0:
called_computation_lowered:
.L_overlay_start_0:
0x88: {  	s2 =	sld [smem:$0x3FD9]  }
0x89: {  	s3 =	sld [smem:$0x3FFE];
	_ =	sdelay $0x1  }
0x8a: {  	s1 =	srdreg.scid  }
0x8b: {  	s0 =	sand.u32 $0x1, s1  }
0x8c: {  	s17 =	sshll.u32 s0, $0xA;
	s2 =	sadd.s32 s3, s2  }
0x8d: {  	s2 =	sadd.s32 s2, s17  }
0x8e: {  	[smem:$0x3FC5] =	sst s2  }
0x8f: {  	_ = 	snop  }
0x90: {  	s2 =	sld [smem:$0x3FC9]  }
0x91: {  	s18 =	sld [smem:$0x3FC8]  }
0x92: {  	s4 =	sld [smem:$0x3FC7];
	(tm) =	ssettm $0x1  }
0x93: {  	s5 =	sld [smem:$0x3FFB];
	_ =	sdelay $0x3  }
0x94: {  	_ =	strace s5  }
0x95: {  	s5 =	sld [smem:$0x3FFC];
	_ =	sdelay $0x3  }
0x96: {  	_ =	strace s5  }
0x97: {  	s5 =	sld [smem:$0x3FFD];
	_ =	sdelay $0x3  }
0x98: {  	_ =	strace s5  }
0x99: {  	_ =	strace $0x8FFFFFFF  }
0x9a: {  	s19 =	sld [smem:$0x3FDB];
	_ =	sdelay $0x1  }
0x9b: {  	s6 =	simm.s32 $_scs_section_size  }
0x9c: {  	s7 =	simm.s32 $_size__tile_overlayer_lowered;
	s8 =	simm.s32 $_tile_overlayer_lowered  }
0x9d: {  	s22 =	simm.s32 $0x1BFF;
	s21 =	sshll.u32 s8, $0x1;
	s5 =	sadd.s32 s6, s19  }
0x9e: {  	s9 =	simm.s32 $0x0;
	s20 =	sshll.u32 s7, $0x1;
	s7 =	sadd.s32 s21, s5  }
0x9f: {  	[timem:s9], [sflag:s22] =	dma.local [hbm:s7], s20  }
0xa0: {  	_ =	swait.ge [sflag:s22], s20  }
0xa1: {  	s6 =	ssub.s32 $0x0, s20;
	[sflag:s22] =	ssyncset.done $0x0  }
0xa2: {  	[sflag:s22] =	ssyncadd.s32 s6;
	_ =	sdelay $0x1  }
0xa3: {  	s23 =	simm.s32 $0x1B8B  }
0xa4: {  	_ =	swait.ge [sflag:s23], $0x1  }
0xa5: {  	[sflag:s23] =	ssyncset.done $0x0  }
0xa6: {  	s25 =	simm.s32 $0x1B8E;
	s24 =	sld [smem:$0x3FFE];
	[sflag:s23] =	ssyncadd.s32 $0xFFFFFFFF  }
0xa7: {  	s26 =	simm.s32 $execute0_lowered;
	[smem:$0x3FD2] =	sst s25  }
0xa8: {  	s7 =	sshll.u32 s26, $0x1;
	_ =	strace $0x80000046;
	[dreg:$0x1] =	wrdreg $0xFFFFFFFF  }
0xa9: {  	s28 =	simm.s32 $_size_execute0_lowered;
	s5 =	sadd.s32 s5, s7;
	[dreg:$0x0] =	wrdreg $0x0  }
0xaa: {  	s7 =	sshll.u32 s28, $0x1;
	[dreg:$0x2] =	wrdreg s5  }
0xab: {  	[dreg:$0x3] =	wrdreg s7  }
0xac: {  	[dreg:$0x4] =	wrdreg $0xC0  }
0xad: {  	_ =	task [dreg:s9], $0x5FFFF  }
0xae: {  	[dreg:$0x1] =	wrdreg $0xFFFFFFFF  }
0xaf: {  	[dreg:$0x0] =	wrdreg $0x60  }
0xb0: {  	[dreg:$0x2] =	wrdreg s2  }
0xb1: {  	[dreg:$0x3] =	wrdreg s18  }
0xb2: {  	[dreg:$0x4] =	wrdreg s4  }
0xb3: {  	[dreg:$0x5] =	wrdreg s24  }
0xb4: {  	[dreg:$0x6] =	wrdreg $0x9  }
0xb5: {  	_ =	task.clear_ibuf [dreg:s9], $0x7FFFF;
	_ =	strace $0x90000046  }
0xb6: {  	s29 =	simm.s32 $0x9;
	_ =	strace $0x80000048  }
0xb7: {  	_ =	swait.ge [sflag:s29], $0x1  }
0xb8: {  	[sflag:s29] =	ssyncadd.s32 $0xFFFFFFFF  }
0xb9: {  	_ =	strace $0x90000048  }
0xba: {  	_ =	sfence  }
0xbb: {  	s30 =	sld [smem:$0x0];
	_ =	sdelay $0x2  }
0xbc: {  	s31 =	sshll.u32 s1, $0xD;
	s1 =	sshrl.u32 s1, $0x2  }
0xbd: {  	s3 =	sand.u32 $0x4000, s31;
	s1 =	sadd.s32 s1, s30  }
0xbe: {  	s0 =	sor.u32 s3, s0;
	s1 =	sshll.u32 s1, $0x11  }
0xbf: {  	s0 =	sor.u32 s1, s0  }
0xc0: {  	s0 =	sadd.s32 $0x8F2B, s0  }
0xc1: {  	[sflag:s0] =	ssyncadd.remote.s32 $0x1  }
0xc2: {  	_ =	sfence.sel $0xFFFF  }
0xc3: {  	[dreg:$0x0] =	wrdreg $0xFFFFFFFF;
	(pc) =	sbr.abs _section_cstart, $3  }
0xc4: {  	[dreg:$0x1] =	wrdreg $0xFFFFFFFF  }
0xc5: {  	_ =	task.clear_ibuf [dreg:s9], $0x2FFFF;
	_ =	strace $0x9FFFFFFF  }
0xc6: {  	(tm) =	ssettm $0x7FFFFFFF  }
0xc7: {  	_ =	shalt  }
tec
execute0_lowered:
.L_overlay_start_1:
0x0: {  	(tag) =	ssettag $0x1  }
0x1: {  	s21 =	rddreg [dreg:$0x0]  }
0x2: {  	s8 =	rddreg [dreg:$0x1]  }
0x3: {  	s1 =	srdreg.scid;
	s0 =	stileid.u32  }
0x4: {  	s2 =	rddreg [dreg:$0x2];
	s26 =	sand.u32 $0x1, s1;
	s4 =	sshll.u32 s0, $0x1  }
0x5: {  	s25 =	rddreg [dreg:$0x3];
	s3 =	simm.s32 $0x0;
	s18 =	sor.u32 s26, s4  }
0x6: {  	s5 =	simm.s32 $0x10200;
	s1 =	rddreg [dreg:$0x4];
	s22 =	sshll.u32 s18, $0x9  }
0x7: {  	[smem:$0x7FF] =	sst s3;
	s4 =	sshll.u32 s18, $0xD;
	s20 =	sor.u32 $0x80, s22  }
0x8: {  	_ =	strace $0x80000047;
	s4 =	sadd.s32 s21, s4;
	s6 =	sshll.u32 s20, $0x4  }
0x9: {  	[tilespmem:s5], [sflag:$0x2] =	stream.linear.gather [hbm4b:s4+s3], $0x4000, $0x38;
	[tilespmem:$0x18200] =	vst v63  }
0xa: {  	s7 =	simm.s32 $0x14200;
	s9 =	sshll.u32 s18, $0x6;
	s6 =	sadd.s32 s21, s6  }
0xb: {  	[tilespmem:s7], [sflag:$0x2] =	stream.linear.gather [hbm4b:s6+s3], $0x4000, $0x38;
	[tilespmem:$0x18200] =	vst v63  }
0xc: {  	s9 =	sadd.s32 s8, s9;
	s8 =	simm.s32 $0x3  }
0xd: {  	[tilespmem:s3], [sflag:$0x3] =	stream.linear.gather [hbm4b:s9+s3], $0x200, $0x38;
	[tilespmem:$0x18200] =	vst v63  }
0xe: {  	_ =	swait.ge [sflag:s8], $0x200  }
0xf: {  	[sflag:s8] =	ssyncset.done $0x0  }
0x10: {  	s10 =	simm.s32 $0x80;
	s11 =	simm.s32 $0x200;
	[sflag:s8] =	ssyncadd.s32 $0xFFFFFE00  }
0x11: {  	[tilespmem:s11], [sflag:$0x1] =	stream.indirect.gather [hbm4b:s2+s10], $0x80, s3, s10, $0xb8;
	[tilespmem:$0x18200] =	vst v63  }
0x12: {  	s12 =	simm.s32 $0x4200  }
0x13: {  	[tilespmem:s12], [sflag:$0x1] =	stream.indirect.gather [hbm4b:s2+s10], $0x80, s10, s10, $0xb8;
	[tilespmem:$0x18200] =	vst v63  }
0x14: {  	s13 =	simm.s32 $0x100;
	s14 =	simm.s32 $0x8200  }
0x15: {  	[tilespmem:s14], [sflag:$0x1] =	stream.indirect.gather [hbm4b:s2+s10], $0x80, s13, s10, $0xb8;
	[tilespmem:$0x18200] =	vst v63  }
0x16: {  	s15 =	simm.s32 $0x180;
	s16 =	simm.s32 $0xC200;
	s17 =	simm.s32 $0x2  }
0x17: {  	[tilespmem:s16], [sflag:$0x1] =	stream.indirect.gather [hbm4b:s2+s10], $0x80, s15, s10, $0xb8;
	[tilespmem:$0x18200] =	vst v63  }
0x18: {  	_ =	swait.ge [sflag:s17], $0x4000  }
0x19: {  	s23 =	sadd.s32 $0x410, s25;
	s28 =	sshll.u32 s18, $0xE;
	[sflag:s17] =	ssyncset.done $0x0  }
0x1a: {  	s18 =	sadd.s32 s28, s23;
	[sflag:s17] =	ssyncadd.s32 $0xFFFFC000  }
0x1b: {  	[hbm4b:s18+s10] =	stream.strided.scatter [tilespmem:s5], [sflag:$0x3], $0x4000, s13, s10, $0x38;
	[tilespmem:$0x18200] =	vst v63  }
0x1c: {  	s24 =	sor.u32 $0x100, s22;
	_ =	swait.ge [sflag:s8], $0x4000  }
0x1d: {  	s19 =	sshll.u32 s24, $0x4;
	[sflag:s8] =	ssyncset.done $0x0  }
0x1e: {  	s19 =	sadd.s32 s21, s19;
	[sflag:s8] =	ssyncadd.s32 $0xFFFFC000  }
0x1f: {  	[tilespmem:s5], [sflag:$0x2] =	stream.linear.gather [hbm4b:s19+s3], $0x4000, $0x38;
	[tilespmem:$0x18200] =	vst v63  }
0x20: {  	_ =	swait.ge [sflag:s17], $0x4000  }
0x21: {  	s20 =	sshll.u32 s20, $0x5;
	[sflag:s17] =	ssyncset.done $0x0  }
0x22: {  	s20 =	sadd.s32 s20, s23;
	[sflag:s17] =	ssyncadd.s32 $0xFFFFC000  }
0x23: {  	[hbm4b:s20+s10] =	stream.strided.scatter [tilespmem:s7], [sflag:$0x3], $0x4000, s13, s10, $0x38;
	[tilespmem:$0x18200] =	vst v63  }
0x24: {  	s29 =	sor.u32 $0x180, s22;
	_ =	swait.ge [sflag:s8], $0x4000  }
0x25: {  	s22 =	sshll.u32 s29, $0x4;
	[sflag:s8] =	ssyncset.done $0x0  }
0x26: {  	s21 =	sadd.s32 s21, s22;
	[sflag:s8] =	ssyncadd.s32 $0xFFFFC000  }
0x27: {  	[tilespmem:s7], [sflag:$0x2] =	stream.linear.gather [hbm4b:s21+s3], $0x4000, $0x38;
	[tilespmem:$0x18200] =	vst v63  }
0x28: {  	_ =	swait.ge [sflag:s17], $0x4000  }
0x29: {  	s24 =	sshll.u32 s24, $0x5;
	[sflag:s17] =	ssyncset.done $0x0  }
0x2a: {  	s22 =	sadd.s32 s24, s23;
	[sflag:s17] =	ssyncadd.s32 $0xFFFFC000  }
0x2b: {  	[hbm4b:s22+s10] =	stream.strided.scatter [tilespmem:s5], [sflag:$0x3], $0x4000, s13, s10, $0x38;
	[tilespmem:$0x18200] =	vst v63  }
0x2c: {  	_ =	swait.ge [sflag:s8], $0x4000  }
0x2d: {  	[sflag:s8] =	ssyncset.done $0x0  }
0x2e: {  	[sflag:s8] =	ssyncadd.s32 $0xFFFFC000  }
0x2f: {  	_ =	swait.ge [sflag:s17], $0x4000  }
0x30: {  	s30 =	sshll.u32 s29, $0x5;
	[sflag:s17] =	ssyncset.done $0x0  }
0x31: {  	s23 =	sadd.s32 s30, s23;
	[sflag:s17] =	ssyncadd.s32 $0xFFFFC000  }
0x32: {  	[hbm4b:s23+s10] =	stream.strided.scatter [tilespmem:s7], [sflag:$0x3], $0x4000, s13, s10, $0x38;
	[tilespmem:$0x18200] =	vst v63  }
0x33: {  	_ =	swait.ge [sflag:s8], $0x4000  }
0x34: {  	[sflag:s8] =	ssyncset.done $0x0  }
0x35: {  	s24 =	simm.s32 $0x1;
	[sflag:s8] =	ssyncadd.s32 $0xFFFFC000  }
0x36: {  	_ =	swait.ge [sflag:s24], $0x4000  }
0x37: {  	[sflag:s24] =	ssyncset.done $0x0  }
0x38: {  	[sflag:s24] =	ssyncadd.s32 $0xFFFFC000  }
0x39: {  	_ =	swait.ge [sflag:s24], $0x4000  }
0x3a: {  	[sflag:s24] =	ssyncset.done $0x0  }
0x3b: {  	s26 =	ssub.s32 $0x2, s26;
	[sflag:s24] =	ssyncadd.s32 $0xFFFFC000  }
0x3c: {  	s31 =	sshrl.u32 s26, $0x1;
	_ =	swait.ge [sflag:s24], $0x4000  }
0x3d: {  	s26 =	ssub.s32 s26, s31;
	[sflag:s24] =	ssyncset.done $0x0  }
0x3e: {  	s26 =	smax.u32 s26, $0x1;
	[sflag:s24] =	ssyncadd.s32 $0xFFFFC000  }
0x3f: {  	p0 =	sne.s32 s26, $0x1;
	_ =	swait.ge [sflag:s24], $0x4000  }
.Ltmp0:
0x40: {  	s25 =	sadd.s32 s28, s25;
	[sflag:s24] =	ssyncset.done $0x0;
	(pc) =	sbr.rel @!p0 .LBB2_2-.Ltmp0, $4  }
0x41: {  	s25 =	sadd.s32 $0x400, s25;
	[sflag:s24] =	ssyncadd.s32 $0xFFFFC000  }
0x42: {  	[hbm4b:s25+s10] =	stream.strided.scatter [tilespmem:s11], [sflag:$0x3], $0x10000, s13, s10, $0x38;
	[tilespmem:$0x18200] =	vst v63  }
0x43: {  	_ =	swait.ge [sflag:s8], $0x10000  }
0x44: {  	s26 =	sadd.s32 $0xFFFFFFFF, s26;
	[sflag:s8] =	ssyncset.done $0x0  }
.LBB2_1:
0x45: {  	p0 =	sne.s32 s26, $0x1;
	s26 =	sadd.s32 $0xFFFFFFFF, s26;
	[sflag:s8] =	ssyncadd.s32 $0xFFFF0000  }
0x46: {  	[tilespmem:s5], [sflag:$0x2] =	stream.linear.gather [hbm4b:s4+s3], $0x4000, $0x38;
	[tilespmem:$0x18200] =	vst v63  }
0x47: {  	_ = 	snop  }
0x48: {  	[tilespmem:s7], [sflag:$0x2] =	stream.linear.gather [hbm4b:s6+s3], $0x4000, $0x38;
	[tilespmem:$0x18200] =	vst v63  }
0x49: {  	_ = 	snop  }
0x4a: {  	[tilespmem:s3], [sflag:$0x3] =	stream.linear.gather [hbm4b:s9+s3], $0x200, $0x38;
	[tilespmem:$0x18200] =	vst v63  }
0x4b: {  	_ =	swait.ge [sflag:s8], $0x200  }
0x4c: {  	[sflag:s8] =	ssyncset.done $0x0  }
0x4d: {  	[sflag:s8] =	ssyncadd.s32 $0xFFFFFE00  }
0x4e: {  	[tilespmem:s11], [sflag:$0x1] =	stream.indirect.gather [hbm4b:s2+s10], $0x80, s3, s10, $0xb8;
	[tilespmem:$0x18200] =	vst v63  }
0x4f: {  	_ = 	snop  }
0x50: {  	[tilespmem:s12], [sflag:$0x1] =	stream.indirect.gather [hbm4b:s2+s10], $0x80, s10, s10, $0xb8;
	[tilespmem:$0x18200] =	vst v63  }
0x51: {  	_ = 	snop  }
0x52: {  	[tilespmem:s14], [sflag:$0x1] =	stream.indirect.gather [hbm4b:s2+s10], $0x80, s13, s10, $0xb8;
	[tilespmem:$0x18200] =	vst v63  }
0x53: {  	_ = 	snop  }
0x54: {  	[tilespmem:s16], [sflag:$0x1] =	stream.indirect.gather [hbm4b:s2+s10], $0x80, s15, s10, $0xb8;
	[tilespmem:$0x18200] =	vst v63  }
0x55: {  	_ =	swait.ge [sflag:s17], $0x4000  }
0x56: {  	[sflag:s17] =	ssyncset.done $0x0  }
0x57: {  	[sflag:s17] =	ssyncadd.s32 $0xFFFFC000  }
0x58: {  	[hbm4b:s18+s10] =	stream.strided.scatter [tilespmem:s5], [sflag:$0x3], $0x4000, s13, s10, $0x38;
	[tilespmem:$0x18200] =	vst v63  }
0x59: {  	_ =	swait.ge [sflag:s8], $0x4000  }
0x5a: {  	[sflag:s8] =	ssyncset.done $0x0  }
0x5b: {  	[sflag:s8] =	ssyncadd.s32 $0xFFFFC000  }
0x5c: {  	[tilespmem:s5], [sflag:$0x2] =	stream.linear.gather [hbm4b:s19+s3], $0x4000, $0x38;
	[tilespmem:$0x18200] =	vst v63  }
0x5d: {  	_ =	swait.ge [sflag:s17], $0x4000  }
0x5e: {  	[sflag:s17] =	ssyncset.done $0x0  }
0x5f: {  	[sflag:s17] =	ssyncadd.s32 $0xFFFFC000  }
0x60: {  	[hbm4b:s20+s10] =	stream.strided.scatter [tilespmem:s7], [sflag:$0x3], $0x4000, s13, s10, $0x38;
	[tilespmem:$0x18200] =	vst v63  }
0x61: {  	_ =	swait.ge [sflag:s8], $0x4000  }
0x62: {  	[sflag:s8] =	ssyncset.done $0x0  }
0x63: {  	[sflag:s8] =	ssyncadd.s32 $0xFFFFC000  }
0x64: {  	[tilespmem:s7], [sflag:$0x2] =	stream.linear.gather [hbm4b:s21+s3], $0x4000, $0x38;
	[tilespmem:$0x18200] =	vst v63  }
0x65: {  	_ =	swait.ge [sflag:s17], $0x4000  }
0x66: {  	[sflag:s17] =	ssyncset.done $0x0  }
0x67: {  	[sflag:s17] =	ssyncadd.s32 $0xFFFFC000  }
0x68: {  	[hbm4b:s22+s10] =	stream.strided.scatter [tilespmem:s5], [sflag:$0x3], $0x4000, s13, s10, $0x38;
	[tilespmem:$0x18200] =	vst v63  }
0x69: {  	_ =	swait.ge [sflag:s8], $0x4000  }
0x6a: {  	[sflag:s8] =	ssyncset.done $0x0  }
0x6b: {  	[sflag:s8] =	ssyncadd.s32 $0xFFFFC000  }
0x6c: {  	_ =	swait.ge [sflag:s17], $0x4000  }
0x6d: {  	[sflag:s17] =	ssyncset.done $0x0  }
0x6e: {  	[sflag:s17] =	ssyncadd.s32 $0xFFFFC000  }
0x6f: {  	[hbm4b:s23+s10] =	stream.strided.scatter [tilespmem:s7], [sflag:$0x3], $0x4000, s13, s10, $0x38;
	[tilespmem:$0x18200] =	vst v63  }
0x70: {  	_ =	swait.ge [sflag:s8], $0x4000  }
0x71: {  	[sflag:s8] =	ssyncset.done $0x0  }
0x72: {  	[sflag:s8] =	ssyncadd.s32 $0xFFFFC000  }
0x73: {  	_ =	swait.ge [sflag:s24], $0x4000  }
0x74: {  	[sflag:s24] =	ssyncset.done $0x0  }
0x75: {  	[sflag:s24] =	ssyncadd.s32 $0xFFFFC000  }
0x76: {  	_ =	swait.ge [sflag:s24], $0x4000  }
0x77: {  	[sflag:s24] =	ssyncset.done $0x0  }
0x78: {  	[sflag:s24] =	ssyncadd.s32 $0xFFFFC000  }
0x79: {  	_ =	swait.ge [sflag:s24], $0x4000  }
0x7a: {  	[sflag:s24] =	ssyncset.done $0x0  }
0x7b: {  	[sflag:s24] =	ssyncadd.s32 $0xFFFFC000  }
0x7c: {  	_ =	swait.ge [sflag:s24], $0x4000  }
.Ltmp1:
0x7d: {  	[sflag:s24] =	ssyncset.done $0x0;
	(pc) =	sbr.rel @p0 .LBB2_1-.Ltmp1, $4  }
0x7e: {  	[sflag:s24] =	ssyncadd.s32 $0xFFFFC000  }
0x7f: {  	[hbm4b:s25+s10] =	stream.strided.scatter [tilespmem:s11], [sflag:$0x3], $0x10000, s13, s10, $0x38;
	[tilespmem:$0x18200] =	vst v63  }
0x80: {  	_ =	swait.ge [sflag:s8], $0x10000  }
0x81: {  	[sflag:s8] =	ssyncset.done $0x0  }
.LBB2_2:
0x82: {  	[sflag:s8] =	ssyncadd.s32 $0xFFFF0000  }
0x83: {  	_ =	sfence.sel $0x180000  }
0x84: {  	[bflag:$0x0] =	sbarrier.arrive $0xFFFF  }
0x85: {  	p0 =	sne.s32 s0, $0x0;
	_ =	strace $0x90000047  }
0x86: {  	s0 =	sadd.s32 @!p0 $0x100000, s1;
	[bflag:$0x2] =	sbarrier.arrive $0xFFFF  }
0x87: {  	[sflag:s0] =	ssyncadd.tile.s32 @!p0 $0x1;
	_ =	shalt  }
.Lfunc_end2:
_tile_overlayer_lowered:
.L_overlay_start_2:
0x88: {  	(tag) =	ssettag $0x2  }
0x89: {  	s0 =	rddreg [dreg:$0x0];
	s2 =	stileid.u32  }
0x8a: {  	s1 =	rddreg [dreg:$0x1];
	p0 =	sne.s32 s2, $0x0  }
0x8b: {  	s3 =	rddreg [dreg:$0x2];
	[bflag:$0x3] =	sbarrier.arrive $0xFFFF;
	s2 =	simm.s32 @!p0 $0x1C03  }
0x8c: {  	[timem:s3], [sflag:s2] =	dma.local @!p0 [hbm:s0], s1  }
0x8d: {  	s0 =	simm.s32 @!p0 $0x3  }
0x8e: {  	_ =	swait.ge @!p0 [sflag:s0], s1  }
0x8f: {  	s1 =	ssub.s32 @!p0 $0x0, s1;
	[sflag:s0] =	ssyncset.done @!p0 $0x0  }
0x90: {  	[sflag:s0] =	ssyncadd.s32 @!p0 s1  }
0x91: {  	[bflag:$0x3] =	sbarrier.arrive $0xFFFF  }
0x92: {  	_ =	shalt  }

</sc_bundles>
